<compile_context>
chip_gen: v7x
topology: tpu7x:2x2x1
jax: 0.10.2.dev20260603
libtpu: 0.0.44.dev20260713+nightly
codegen_flags: <defaults>
</compile_context>

<pallas_src>
import functools

import jax
import jax.numpy as jnp
from jax import lax
from jax.experimental import pallas as pl
from jax.experimental.pallas import tpu as pltpu
from jax.experimental.pallas import tpu_sc as plsc

EMBED_DIM = 32
BLOCK = 1024
PAD0 = 1024
PAD12 = 128
_BIGI = 2**30
_BIGF = 3.0e38

_NC, _NS = 2, 16
_NW = _NC * _NS
_CHUNK = 128


def _argmin_rows(d, row, lo, hi):
    valid = (row >= lo) & (row < hi)
    dv = jnp.where(valid, d, _BIGF)
    m = jnp.min(dv, axis=0, keepdims=True)
    idx = jnp.where((d == m) & valid, row, _BIGI)
    return jnp.min(idx, axis=0, keepdims=True) - lo


def _score_body(x_ref, rs_ref, w0_ref, ws0_ref, w12_ref, ws12_ref,
                i0_ref, i1_ref, i2_ref):
    x = x_ref[...]
    rs = rs_ref[...]

    mm0 = lax.dot_general(w0_ref[...], x, (((1,), (1,)), ((), ())),
                          preferred_element_type=jnp.float32)
    d0 = (rs + ws0_ref[...]) - 2.0 * mm0
    row0 = lax.broadcasted_iota(jnp.int32, d0.shape, 0)
    i0_ref[...] = _argmin_rows(d0, row0, 0, PAD0).reshape(i0_ref.shape)

    mm12 = lax.dot_general(w12_ref[...], x, (((1,), (1,)), ((), ())),
                           preferred_element_type=jnp.float32)
    d12 = (rs + ws12_ref[...]) - 2.0 * mm12
    row12 = lax.broadcasted_iota(jnp.int32, d12.shape, 0)
    i1_ref[...] = _argmin_rows(d12, row12, 0, 100).reshape(i1_ref.shape)
    i2_ref[...] = _argmin_rows(d12, row12, 100, 110).reshape(i2_ref.shape)


_TPW = 32768 // _NW


def _gather_body(w0, w1, w2, i0, i1, i2, o0, o1, o2,
                 iv0, iv1, iv2, rv0, rv1, rv2, sem):
    wid = lax.axis_index("s") * _NC + lax.axis_index("c")
    base = wid * _TPW
    trips = ((w0, i0, o0, iv0, rv0), (w1, i1, o1, iv1, rv1),
             (w2, i2, o2, iv2, rv2))
    for _, ihbm, _, iv, _ in trips:
        pltpu.sync_copy(ihbm.at[pl.ds(base, _TPW)], iv)
    handles = []
    for table, _, _, iv, rv in trips:
        for j in range(1):
            handles.append(pltpu.async_copy(
                table.at[wid].at[iv.at[pl.ds(j * _CHUNK, _CHUNK)]],
                rv.at[pl.ds(j * _CHUNK, _CHUNK)], sem))
    for h in handles:
        h.wait()
    for _, _, ohbm, _, rv in trips:
        pltpu.sync_copy(rv, ohbm.at[pl.ds(base, _TPW)])


@functools.partial(jax.jit, static_argnums=())
def kernel(embeds, W0, W1, W2):
    shape = embeds.shape
    flat = embeds.reshape(-1, EMBED_DIM)
    n = flat.shape[0]
    nb = n // BLOCK

    rs = jnp.sum(flat ** 2, axis=1, keepdims=True).reshape(1, n)
    ws0 = jnp.pad(jnp.sum(W0 ** 2, axis=1), (0, PAD0 - W0.shape[0]),
                  constant_values=_BIGF).reshape(PAD0, 1)
    w12 = jnp.concatenate([W1, W2], axis=0)
    ws12 = jnp.pad(jnp.sum(w12 ** 2, axis=1), (0, PAD12 - w12.shape[0]),
                   constant_values=_BIGF).reshape(PAD12, 1)
    w0p = jnp.pad(W0, ((0, PAD0 - W0.shape[0]), (0, 0)))
    w12p = jnp.pad(w12, ((0, PAD12 - w12.shape[0]), (0, 0)))

    rep = lambda i: (0, 0)
    idx = pl.pallas_call(
        _score_body,
        grid=(nb,),
        in_specs=[
            pl.BlockSpec((BLOCK, EMBED_DIM), lambda i: (i, 0)),
            pl.BlockSpec((1, BLOCK), lambda i: (0, i)),
            pl.BlockSpec((PAD0, EMBED_DIM), rep),
            pl.BlockSpec((PAD0, 1), rep),
            pl.BlockSpec((PAD12, EMBED_DIM), rep),
            pl.BlockSpec((PAD12, 1), rep),
        ],
        out_specs=[pl.BlockSpec((1, 1, BLOCK), lambda i: (i, 0, 0))] * 3,
        out_shape=[jax.ShapeDtypeStruct((nb, 1, BLOCK), jnp.int32)] * 3,
    )(flat, rs, w0p, ws0, w12p, ws12)
    i0, i1, i2 = (x.reshape(n) for x in idx)

    mesh = plsc.VectorSubcoreMesh(core_axis_name="c", subcore_axis_name="s")
    gather = pl.kernel(
        _gather_body, mesh=mesh,
        out_type=[jax.ShapeDtypeStruct((n, EMBED_DIM), jnp.float32)] * 3,
        scratch_types=[
            pltpu.VMEM((_TPW,), jnp.int32),
            pltpu.VMEM((_TPW,), jnp.int32),
            pltpu.VMEM((_TPW,), jnp.int32),
            pltpu.VMEM((_TPW, EMBED_DIM), jnp.float32),
            pltpu.VMEM((_TPW, EMBED_DIM), jnp.float32),
            pltpu.VMEM((_TPW, EMBED_DIM), jnp.float32),
            pltpu.SemaphoreType.DMA,
        ],
        compiler_params=pltpu.CompilerParams(
            use_tc_tiling_on_sc=False,
            skip_device_barrier=True,
            disable_bounds_checks=True,
            disable_semaphore_checks=True,
        ),
    )
    w0r = jnp.broadcast_to(W0, (_NW,) + W0.shape)
    w1r = jnp.broadcast_to(W1, (_NW,) + W1.shape)
    w2r = jnp.broadcast_to(W2, (_NW,) + W2.shape)
    q0, q1, q2 = gather(w0r, w1r, w2r, i0, i1, i2)
    return tuple(q.reshape(shape) for q in (q0, q1, q2))

# --- scband reference (transcript-rebuilt; emitter-appended) ---
"""Pipeline reference for scband-cascade-codebook-cluster-53644141527043 (READ-ONLY COPY).

The authoritative reference and input builder live on the scoring server;
editing this copy changes nothing except your own understanding.
"""

import jax, jax.numpy as jnp
import numpy as np

EMBED_DIM = 32
CLUSTER_SIZES = [1000, 100, 10]

def setup_inputs(seed: int = 0) -> dict:
    key = jax.random.key(seed)
    k1, k2, k3, k4 = jax.random.split(key, 4)
    embeds = jax.random.normal(k1, (32, 1024, EMBED_DIM), dtype=jnp.float32)
    W0 = jax.random.normal(k2, (CLUSTER_SIZES[0], EMBED_DIM), dtype=jnp.float32) * 0.02
    W1 = jax.random.normal(k3, (CLUSTER_SIZES[1], EMBED_DIM), dtype=jnp.float32) * 0.02
    W2 = jax.random.normal(k4, (CLUSTER_SIZES[2], EMBED_DIM), dtype=jnp.float32) * 0.02
    return {"embeds": embeds, "W0": W0, "W1": W1, "W2": W2}

def reference(embeds, W0, W1, W2):
    # Faithful translation of CascadeCodebookCluster.quantize with individual=True
    shape = embeds.shape
    flat = embeds.reshape(-1, EMBED_DIM)
    qembeds = []
    for W in (W0, W1, W2):
        distances = (jnp.sum(flat ** 2, axis=1, keepdims=True)
                     + jnp.sum(W ** 2, axis=1)
                     - 2.0 * jnp.matmul(flat, W.T))
        indices = jnp.argmin(distances, axis=-1)
        # torch scatter_ of ones into zeros placeholder == one-hot
        placeholder = jax.nn.one_hot(indices, W.shape[0], dtype=flat.dtype)
        inner_embeds = jnp.matmul(placeholder, W)
        qembeds.append(inner_embeds.reshape(shape))
        # individual=True: embeds (flat) is NOT replaced between layers
    return tuple(qembeds)

if __name__ == "__main__":
    import jax
    _d = setup_inputs()
    print(jax.jit(kernel)(*tuple(_d.values())))

</pallas_src>

<mosaic_0001>
#map = affine_map<(d0, d1) -> (0, 0, 0)>
#map1 = affine_map<(d0, d1) -> (0)>
#map2 = affine_map<(d0, d1) -> (0, 0)>
module attributes {stable_mosaic.version = 14 : i64} {
  func.func @_gather_body(%arg0: i32, %arg1: i32, %arg2: memref<32x1000x32xf32, #tpu.memory_space<hbm>>, %arg3: memref<32x100x32xf32, #tpu.memory_space<hbm>>, %arg4: memref<32x10x32xf32, #tpu.memory_space<hbm>>, %arg5: memref<32768xi32, #tpu.memory_space<hbm>>, %arg6: memref<32768xi32, #tpu.memory_space<hbm>>, %arg7: memref<32768xi32, #tpu.memory_space<hbm>>, %arg8: memref<32768x32xf32, #tpu.memory_space<hbm>>, %arg9: memref<32768x32xf32, #tpu.memory_space<hbm>>, %arg10: memref<32768x32xf32, #tpu.memory_space<hbm>>, %arg11: memref<1024xi32, #tpu.memory_space<vmem>>, %arg12: memref<1024xi32, #tpu.memory_space<vmem>>, %arg13: memref<1024xi32, #tpu.memory_space<vmem>>, %arg14: memref<1024x32xf32, #tpu.memory_space<vmem>>, %arg15: memref<1024x32xf32, #tpu.memory_space<vmem>>, %arg16: memref<1024x32xf32, #tpu.memory_space<vmem>>, %arg17: memref<!tpu.dma_semaphore, #tpu.memory_space<semaphore_mem>>) attributes {dimension_semantics = [#tpu.dimension_semantics<core_parallel>, #tpu.dimension_semantics<subcore_parallel>], iteration_bounds = array<i64: 2, 16>, scalar_prefetch = 0 : i64, scratch_operands = 7 : i64, tpu.core_type = #tpu.core_type<sc_vector_subcore>, window_params = [{transform_indices = #map}, {transform_indices = #map}, {transform_indices = #map}, {transform_indices = #map1}, {transform_indices = #map1}, {transform_indices = #map1}, {transform_indices = #map2}, {transform_indices = #map2}, {transform_indices = #map2}]} {
    %mul3A = arith.constant 2 : i32
    %mul3A_0 = arith.muli %arg1, %mul3A : i32
    %add3A = arith.addi %mul3A_0, %arg0 : i32
    %mul3A_1 = arith.constant 1024 : i32
    %mul3A_2 = arith.muli %add3A, %mul3A_1 : i32
    "tpu.region"() ({
      %run_scoped3A = tpu.sem_alloc : memref<!tpu.dma_semaphore, #tpu.memory_space<semaphore_mem>>
      %dma_start3A_73 = tpu.memref_slice %arg5[%mul3A_2] : memref<32768xi32, #tpu.memory_space<hbm>> -> memref<1024xi32, #tpu.memory_space<hbm>>
      %dma_start3A_74 = tpu.memref_slice %arg5[%mul3A_2] : memref<32768xi32, #tpu.memory_space<hbm>> -> memref<1024xi32, #tpu.memory_space<hbm>>
      tpu.enqueue_dma source(%dma_start3A_74 : memref<1024xi32, #tpu.memory_space<hbm>>) target(%arg11 : memref<1024xi32, #tpu.memory_space<vmem>>) target_semaphore(%run_scoped3A : memref<!tpu.dma_semaphore, #tpu.memory_space<semaphore_mem>>)
      %dma_wait3A_75 = tpu.memref_slice %arg5[%mul3A_2] : memref<32768xi32, #tpu.memory_space<hbm>> -> memref<1024xi32, #tpu.memory_space<hbm>>
      %dma_wait3A_76 = tpu.memref_slice %arg5[%mul3A_2] : memref<32768xi32, #tpu.memory_space<hbm>> -> memref<1024xi32, #tpu.memory_space<hbm>>
      tpu.wait_dma2 semaphore(%run_scoped3A : memref<!tpu.dma_semaphore, #tpu.memory_space<semaphore_mem>>) src(%dma_wait3A_76 : memref<1024xi32, #tpu.memory_space<hbm>>) dst(%arg11 : memref<1024xi32, #tpu.memory_space<vmem>>)
      tpu.yield
    }) : () -> ()
    "tpu.region"() ({
      %run_scoped3A = tpu.sem_alloc : memref<!tpu.dma_semaphore, #tpu.memory_space<semaphore_mem>>
      %dma_start3A_73 = tpu.memref_slice %arg6[%mul3A_2] : memref<32768xi32, #tpu.memory_space<hbm>> -> memref<1024xi32, #tpu.memory_space<hbm>>
      %dma_start3A_74 = tpu.memref_slice %arg6[%mul3A_2] : memref<32768xi32, #tpu.memory_space<hbm>> -> memref<1024xi32, #tpu.memory_space<hbm>>
      tpu.enqueue_dma source(%dma_start3A_74 : memref<1024xi32, #tpu.memory_space<hbm>>) target(%arg12 : memref<1024xi32, #tpu.memory_space<vmem>>) target_semaphore(%run_scoped3A : memref<!tpu.dma_semaphore, #tpu.memory_space<semaphore_mem>>)
      %dma_wait3A_75 = tpu.memref_slice %arg6[%mul3A_2] : memref<32768xi32, #tpu.memory_space<hbm>> -> memref<1024xi32, #tpu.memory_space<hbm>>
      %dma_wait3A_76 = tpu.memref_slice %arg6[%mul3A_2] : memref<32768xi32, #tpu.memory_space<hbm>> -> memref<1024xi32, #tpu.memory_space<hbm>>
      tpu.wait_dma2 semaphore(%run_scoped3A : memref<!tpu.dma_semaphore, #tpu.memory_space<semaphore_mem>>) src(%dma_wait3A_76 : memref<1024xi32, #tpu.memory_space<hbm>>) dst(%arg12 : memref<1024xi32, #tpu.memory_space<vmem>>)
      tpu.yield
    }) : () -> ()
    "tpu.region"() ({
      %run_scoped3A = tpu.sem_alloc : memref<!tpu.dma_semaphore, #tpu.memory_space<semaphore_mem>>
      %dma_start3A_73 = tpu.memref_slice %arg7[%mul3A_2] : memref<32768xi32, #tpu.memory_space<hbm>> -> memref<1024xi32, #tpu.memory_space<hbm>>
      %dma_start3A_74 = tpu.memref_slice %arg7[%mul3A_2] : memref<32768xi32, #tpu.memory_space<hbm>> -> memref<1024xi32, #tpu.memory_space<hbm>>
      tpu.enqueue_dma source(%dma_start3A_74 : memref<1024xi32, #tpu.memory_space<hbm>>) target(%arg13 : memref<1024xi32, #tpu.memory_space<vmem>>) target_semaphore(%run_scoped3A : memref<!tpu.dma_semaphore, #tpu.memory_space<semaphore_mem>>)
      %dma_wait3A_75 = tpu.memref_slice %arg7[%mul3A_2] : memref<32768xi32, #tpu.memory_space<hbm>> -> memref<1024xi32, #tpu.memory_space<hbm>>
      %dma_wait3A_76 = tpu.memref_slice %arg7[%mul3A_2] : memref<32768xi32, #tpu.memory_space<hbm>> -> memref<1024xi32, #tpu.memory_space<hbm>>
      tpu.wait_dma2 semaphore(%run_scoped3A : memref<!tpu.dma_semaphore, #tpu.memory_space<semaphore_mem>>) src(%dma_wait3A_76 : memref<1024xi32, #tpu.memory_space<hbm>>) dst(%arg13 : memref<1024xi32, #tpu.memory_space<vmem>>)
      tpu.yield
    }) : () -> ()
    %dma_start3A = arith.constant 0 : i32
    %dma_start3A_3 = arith.constant 0 : i32
    %dma_start3A_4 = tpu.memref_slice %arg14[%dma_start3A, %dma_start3A_3] : memref<1024x32xf32, #tpu.memory_space<vmem>> -> memref<128x32xf32, #tpu.memory_space<vmem>>
    %dma_start3A_5 = arith.constant 0 : i32
    %dma_start3A_6 = tpu.memref_slice %arg11[%dma_start3A_5] : memref<1024xi32, #tpu.memory_space<vmem>> -> memref<128xi32, #tpu.memory_space<vmem>>
    %dma_start3A_7 = arith.constant 0 : i32
    %dma_start3A_8 = arith.constant 0 : i32
    %dma_start3A_9 = tpu.memref_slice %arg2[%add3A, %dma_start3A_7, %dma_start3A_8] : memref<32x1000x32xf32, #tpu.memory_space<hbm>> -> memref<1x1000x32xf32, #tpu.memory_space<hbm>>
    %dma_start3A_10 = tpu.memref_squeeze %dma_start3A_9 : memref<1x1000x32xf32, #tpu.memory_space<hbm>> -> memref<1000x32xf32, #tpu.memory_space<hbm>>
    %dma_start3A_11 = arith.constant 0 : i32
    %dma_start3A_12 = arith.constant 0 : i32
    %dma_start3A_13 = tpu.memref_slice %dma_start3A_10[%dma_start3A_11, %dma_start3A_12] : memref<1000x32xf32, #tpu.memory_space<hbm>> -> memref<1000x32xf32, #tpu.memory_space<hbm>>
    tpu.enqueue_indirect_dma source(%dma_start3A_13 : memref<1000x32xf32, #tpu.memory_space<hbm>>) target(%dma_start3A_4 : memref<128x32xf32, #tpu.memory_space<vmem>>) offsets(%dma_start3A_6 : memref<128xi32, #tpu.memory_space<vmem>>) semaphore(%arg17 : memref<!tpu.dma_semaphore, #tpu.memory_space<semaphore_mem>>)
    %dma_start3A_14 = arith.constant 0 : i32
    %dma_start3A_15 = arith.constant 0 : i32
    %dma_start3A_16 = tpu.memref_slice %arg15[%dma_start3A_14, %dma_start3A_15] : memref<1024x32xf32, #tpu.memory_space<vmem>> -> memref<128x32xf32, #tpu.memory_space<vmem>>
    %dma_start3A_17 = arith.constant 0 : i32
    %dma_start3A_18 = tpu.memref_slice %arg12[%dma_start3A_17] : memref<1024xi32, #tpu.memory_space<vmem>> -> memref<128xi32, #tpu.memory_space<vmem>>
    %dma_start3A_19 = arith.constant 0 : i32
    %dma_start3A_20 = arith.constant 0 : i32
    %dma_start3A_21 = tpu.memref_slice %arg3[%add3A, %dma_start3A_19, %dma_start3A_20] : memref<32x100x32xf32, #tpu.memory_space<hbm>> -> memref<1x100x32xf32, #tpu.memory_space<hbm>>
    %dma_start3A_22 = tpu.memref_squeeze %dma_start3A_21 : memref<1x100x32xf32, #tpu.memory_space<hbm>> -> memref<100x32xf32, #tpu.memory_space<hbm>>
    %dma_start3A_23 = arith.constant 0 : i32
    %dma_start3A_24 = arith.constant 0 : i32
    %dma_start3A_25 = tpu.memref_slice %dma_start3A_22[%dma_start3A_23, %dma_start3A_24] : memref<100x32xf32, #tpu.memory_space<hbm>> -> memref<100x32xf32, #tpu.memory_space<hbm>>
    tpu.enqueue_indirect_dma source(%dma_start3A_25 : memref<100x32xf32, #tpu.memory_space<hbm>>) target(%dma_start3A_16 : memref<128x32xf32, #tpu.memory_space<vmem>>) offsets(%dma_start3A_18 : memref<128xi32, #tpu.memory_space<vmem>>) semaphore(%arg17 : memref<!tpu.dma_semaphore, #tpu.memory_space<semaphore_mem>>)
    %dma_start3A_26 = arith.constant 0 : i32
    %dma_start3A_27 = arith.constant 0 : i32
    %dma_start3A_28 = tpu.memref_slice %arg16[%dma_start3A_26, %dma_start3A_27] : memref<1024x32xf32, #tpu.memory_space<vmem>> -> memref<128x32xf32, #tpu.memory_space<vmem>>
    %dma_start3A_29 = arith.constant 0 : i32
    %dma_start3A_30 = tpu.memref_slice %arg13[%dma_start3A_29] : memref<1024xi32, #tpu.memory_space<vmem>> -> memref<128xi32, #tpu.memory_space<vmem>>
    %dma_start3A_31 = arith.constant 0 : i32
    %dma_start3A_32 = arith.constant 0 : i32
    %dma_start3A_33 = tpu.memref_slice %arg4[%add3A, %dma_start3A_31, %dma_start3A_32] : memref<32x10x32xf32, #tpu.memory_space<hbm>> -> memref<1x10x32xf32, #tpu.memory_space<hbm>>
    %dma_start3A_34 = tpu.memref_squeeze %dma_start3A_33 : memref<1x10x32xf32, #tpu.memory_space<hbm>> -> memref<10x32xf32, #tpu.memory_space<hbm>>
    %dma_start3A_35 = arith.constant 0 : i32
    %dma_start3A_36 = arith.constant 0 : i32
    %dma_start3A_37 = tpu.memref_slice %dma_start3A_34[%dma_start3A_35, %dma_start3A_36] : memref<10x32xf32, #tpu.memory_space<hbm>> -> memref<10x32xf32, #tpu.memory_space<hbm>>
    tpu.enqueue_indirect_dma source(%dma_start3A_37 : memref<10x32xf32, #tpu.memory_space<hbm>>) target(%dma_start3A_28 : memref<128x32xf32, #tpu.memory_space<vmem>>) offsets(%dma_start3A_30 : memref<128xi32, #tpu.memory_space<vmem>>) semaphore(%arg17 : memref<!tpu.dma_semaphore, #tpu.memory_space<semaphore_mem>>)
    %dma_wait3A = arith.constant 0 : i32
    %dma_wait3A_38 = arith.constant 0 : i32
    %dma_wait3A_39 = tpu.memref_slice %arg14[%dma_wait3A, %dma_wait3A_38] : memref<1024x32xf32, #tpu.memory_space<vmem>> -> memref<128x32xf32, #tpu.memory_space<vmem>>
    %dma_wait3A_40 = arith.constant 0 : i32
    %dma_wait3A_41 = tpu.memref_slice %arg11[%dma_wait3A_40] : memref<1024xi32, #tpu.memory_space<vmem>> -> memref<128xi32, #tpu.memory_space<vmem>>
    %dma_wait3A_42 = arith.constant 0 : i32
    %dma_wait3A_43 = arith.constant 0 : i32
    %dma_wait3A_44 = tpu.memref_slice %arg2[%add3A, %dma_wait3A_42, %dma_wait3A_43] : memref<32x1000x32xf32, #tpu.memory_space<hbm>> -> memref<1x1000x32xf32, #tpu.memory_space<hbm>>
    %dma_wait3A_45 = tpu.memref_squeeze %dma_wait3A_44 : memref<1x1000x32xf32, #tpu.memory_space<hbm>> -> memref<1000x32xf32, #tpu.memory_space<hbm>>
    %dma_wait3A_46 = arith.constant 0 : i32
    %dma_wait3A_47 = arith.constant 0 : i32
    %dma_wait3A_48 = tpu.memref_slice %dma_wait3A_45[%dma_wait3A_46, %dma_wait3A_47] : memref<1000x32xf32, #tpu.memory_space<hbm>> -> memref<1000x32xf32, #tpu.memory_space<hbm>>
    tpu.wait_indirect_dma semaphore(%arg17 : memref<!tpu.dma_semaphore, #tpu.memory_space<semaphore_mem>>) src(%dma_wait3A_48 : memref<1000x32xf32, #tpu.memory_space<hbm>>) dst(%dma_wait3A_39 : memref<128x32xf32, #tpu.memory_space<vmem>>)
    %dma_wait3A_49 = arith.constant 0 : i32
    %dma_wait3A_50 = arith.constant 0 : i32
    %dma_wait3A_51 = tpu.memref_slice %arg15[%dma_wait3A_49, %dma_wait3A_50] : memref<1024x32xf32, #tpu.memory_space<vmem>> -> memref<128x32xf32, #tpu.memory_space<vmem>>
    %dma_wait3A_52 = arith.constant 0 : i32
    %dma_wait3A_53 = tpu.memref_slice %arg12[%dma_wait3A_52] : memref<1024xi32, #tpu.memory_space<vmem>> -> memref<128xi32, #tpu.memory_space<vmem>>
    %dma_wait3A_54 = arith.constant 0 : i32
    %dma_wait3A_55 = arith.constant 0 : i32
    %dma_wait3A_56 = tpu.memref_slice %arg3[%add3A, %dma_wait3A_54, %dma_wait3A_55] : memref<32x100x32xf32, #tpu.memory_space<hbm>> -> memref<1x100x32xf32, #tpu.memory_space<hbm>>
    %dma_wait3A_57 = tpu.memref_squeeze %dma_wait3A_56 : memref<1x100x32xf32, #tpu.memory_space<hbm>> -> memref<100x32xf32, #tpu.memory_space<hbm>>
    %dma_wait3A_58 = arith.constant 0 : i32
    %dma_wait3A_59 = arith.constant 0 : i32
    %dma_wait3A_60 = tpu.memref_slice %dma_wait3A_57[%dma_wait3A_58, %dma_wait3A_59] : memref<100x32xf32, #tpu.memory_space<hbm>> -> memref<100x32xf32, #tpu.memory_space<hbm>>
    tpu.wait_indirect_dma semaphore(%arg17 : memref<!tpu.dma_semaphore, #tpu.memory_space<semaphore_mem>>) src(%dma_wait3A_60 : memref<100x32xf32, #tpu.memory_space<hbm>>) dst(%dma_wait3A_51 : memref<128x32xf32, #tpu.memory_space<vmem>>)
    %dma_wait3A_61 = arith.constant 0 : i32
    %dma_wait3A_62 = arith.constant 0 : i32
    %dma_wait3A_63 = tpu.memref_slice %arg16[%dma_wait3A_61, %dma_wait3A_62] : memref<1024x32xf32, #tpu.memory_space<vmem>> -> memref<128x32xf32, #tpu.memory_space<vmem>>
    %dma_wait3A_64 = arith.constant 0 : i32
    %dma_wait3A_65 = tpu.memref_slice %arg13[%dma_wait3A_64] : memref<1024xi32, #tpu.memory_space<vmem>> -> memref<128xi32, #tpu.memory_space<vmem>>
    %dma_wait3A_66 = arith.constant 0 : i32
    %dma_wait3A_67 = arith.constant 0 : i32
    %dma_wait3A_68 = tpu.memref_slice %arg4[%add3A, %dma_wait3A_66, %dma_wait3A_67] : memref<32x10x32xf32, #tpu.memory_space<hbm>> -> memref<1x10x32xf32, #tpu.memory_space<hbm>>
    %dma_wait3A_69 = tpu.memref_squeeze %dma_wait3A_68 : memref<1x10x32xf32, #tpu.memory_space<hbm>> -> memref<10x32xf32, #tpu.memory_space<hbm>>
    %dma_wait3A_70 = arith.constant 0 : i32
    %dma_wait3A_71 = arith.constant 0 : i32
    %dma_wait3A_72 = tpu.memref_slice %dma_wait3A_69[%dma_wait3A_70, %dma_wait3A_71] : memref<10x32xf32, #tpu.memory_space<hbm>> -> memref<10x32xf32, #tpu.memory_space<hbm>>
    tpu.wait_indirect_dma semaphore(%arg17 : memref<!tpu.dma_semaphore, #tpu.memory_space<semaphore_mem>>) src(%dma_wait3A_72 : memref<10x32xf32, #tpu.memory_space<hbm>>) dst(%dma_wait3A_63 : memref<128x32xf32, #tpu.memory_space<vmem>>)
    "tpu.region"() ({
      %run_scoped3A = tpu.sem_alloc : memref<!tpu.dma_semaphore, #tpu.memory_space<semaphore_mem>>
      %dma_start3A_73 = arith.constant 0 : i32
      %dma_start3A_74 = tpu.memref_slice %arg8[%mul3A_2, %dma_start3A_73] : memref<32768x32xf32, #tpu.memory_space<hbm>> -> memref<1024x32xf32, #tpu.memory_space<hbm>>
      %dma_start3A_75 = arith.constant 0 : i32
      %dma_start3A_76 = tpu.memref_slice %arg8[%mul3A_2, %dma_start3A_75] : memref<32768x32xf32, #tpu.memory_space<hbm>> -> memref<1024x32xf32, #tpu.memory_space<hbm>>
      tpu.enqueue_dma source(%arg14 : memref<1024x32xf32, #tpu.memory_space<vmem>>) target(%dma_start3A_76 : memref<1024x32xf32, #tpu.memory_space<hbm>>) target_semaphore(%run_scoped3A : memref<!tpu.dma_semaphore, #tpu.memory_space<semaphore_mem>>)
      %dma_wait3A_77 = arith.constant 0 : i32
      %dma_wait3A_78 = tpu.memref_slice %arg8[%mul3A_2, %dma_wait3A_77] : memref<32768x32xf32, #tpu.memory_space<hbm>> -> memref<1024x32xf32, #tpu.memory_space<hbm>>
      %dma_wait3A_79 = arith.constant 0 : i32
      %dma_wait3A_80 = tpu.memref_slice %arg8[%mul3A_2, %dma_wait3A_79] : memref<32768x32xf32, #tpu.memory_space<hbm>> -> memref<1024x32xf32, #tpu.memory_space<hbm>>
      tpu.wait_dma2 semaphore(%run_scoped3A : memref<!tpu.dma_semaphore, #tpu.memory_space<semaphore_mem>>) src(%arg14 : memref<1024x32xf32, #tpu.memory_space<vmem>>) dst(%dma_wait3A_80 : memref<1024x32xf32, #tpu.memory_space<hbm>>)
      tpu.yield
    }) : () -> ()
    "tpu.region"() ({
      %run_scoped3A = tpu.sem_alloc : memref<!tpu.dma_semaphore, #tpu.memory_space<semaphore_mem>>
      %dma_start3A_73 = arith.constant 0 : i32
      %dma_start3A_74 = tpu.memref_slice %arg9[%mul3A_2, %dma_start3A_73] : memref<32768x32xf32, #tpu.memory_space<hbm>> -> memref<1024x32xf32, #tpu.memory_space<hbm>>
      %dma_start3A_75 = arith.constant 0 : i32
      %dma_start3A_76 = tpu.memref_slice %arg9[%mul3A_2, %dma_start3A_75] : memref<32768x32xf32, #tpu.memory_space<hbm>> -> memref<1024x32xf32, #tpu.memory_space<hbm>>
      tpu.enqueue_dma source(%arg15 : memref<1024x32xf32, #tpu.memory_space<vmem>>) target(%dma_start3A_76 : memref<1024x32xf32, #tpu.memory_space<hbm>>) target_semaphore(%run_scoped3A : memref<!tpu.dma_semaphore, #tpu.memory_space<semaphore_mem>>)
      %dma_wait3A_77 = arith.constant 0 : i32
      %dma_wait3A_78 = tpu.memref_slice %arg9[%mul3A_2, %dma_wait3A_77] : memref<32768x32xf32, #tpu.memory_space<hbm>> -> memref<1024x32xf32, #tpu.memory_space<hbm>>
      %dma_wait3A_79 = arith.constant 0 : i32
      %dma_wait3A_80 = tpu.memref_slice %arg9[%mul3A_2, %dma_wait3A_79] : memref<32768x32xf32, #tpu.memory_space<hbm>> -> memref<1024x32xf32, #tpu.memory_space<hbm>>
      tpu.wait_dma2 semaphore(%run_scoped3A : memref<!tpu.dma_semaphore, #tpu.memory_space<semaphore_mem>>) src(%arg15 : memref<1024x32xf32, #tpu.memory_space<vmem>>) dst(%dma_wait3A_80 : memref<1024x32xf32, #tpu.memory_space<hbm>>)
      tpu.yield
    }) : () -> ()
    "tpu.region"() ({
      %run_scoped3A = tpu.sem_alloc : memref<!tpu.dma_semaphore, #tpu.memory_space<semaphore_mem>>
      %dma_start3A_73 = arith.constant 0 : i32
      %dma_start3A_74 = tpu.memref_slice %arg10[%mul3A_2, %dma_start3A_73] : memref<32768x32xf32, #tpu.memory_space<hbm>> -> memref<1024x32xf32, #tpu.memory_space<hbm>>
      %dma_start3A_75 = arith.constant 0 : i32
      %dma_start3A_76 = tpu.memref_slice %arg10[%mul3A_2, %dma_start3A_75] : memref<32768x32xf32, #tpu.memory_space<hbm>> -> memref<1024x32xf32, #tpu.memory_space<hbm>>
      tpu.enqueue_dma source(%arg16 : memref<1024x32xf32, #tpu.memory_space<vmem>>) target(%dma_start3A_76 : memref<1024x32xf32, #tpu.memory_space<hbm>>) target_semaphore(%run_scoped3A : memref<!tpu.dma_semaphore, #tpu.memory_space<semaphore_mem>>)
      %dma_wait3A_77 = arith.constant 0 : i32
      %dma_wait3A_78 = tpu.memref_slice %arg10[%mul3A_2, %dma_wait3A_77] : memref<32768x32xf32, #tpu.memory_space<hbm>> -> memref<1024x32xf32, #tpu.memory_space<hbm>>
      %dma_wait3A_79 = arith.constant 0 : i32
      %dma_wait3A_80 = tpu.memref_slice %arg10[%mul3A_2, %dma_wait3A_79] : memref<32768x32xf32, #tpu.memory_space<hbm>> -> memref<1024x32xf32, #tpu.memory_space<hbm>>
      tpu.wait_dma2 semaphore(%run_scoped3A : memref<!tpu.dma_semaphore, #tpu.memory_space<semaphore_mem>>) src(%arg16 : memref<1024x32xf32, #tpu.memory_space<vmem>>) dst(%dma_wait3A_80 : memref<1024x32xf32, #tpu.memory_space<hbm>>)
      tpu.yield
    }) : () -> ()
    return
  }
}

module attributes {stable_mosaic.version = 14 : i64} {
  func.func @_score_body(%arg0: i32, %arg1: memref<1024x32xf32, #tpu.memory_space<vmem>>, %arg2: memref<1x1024xf32, #tpu.memory_space<vmem>>, %arg3: memref<1024x32xf32, #tpu.memory_space<vmem>>, %arg4: memref<1024x1xf32, #tpu.memory_space<vmem>>, %arg5: memref<128x32xf32, #tpu.memory_space<vmem>>, %arg6: memref<128x1xf32, #tpu.memory_space<vmem>>, %arg7: memref<1x1x1024xi32, #tpu.memory_space<vmem>>, %arg8: memref<1x1x1024xi32, #tpu.memory_space<vmem>>, %arg9: memref<1x1x1024xi32, #tpu.memory_space<vmem>>) attributes {dimension_semantics = [#tpu.dimension_semantics<arbitrary>], iteration_bounds = array<i64: 32>, scalar_prefetch = 0 : i64, scratch_operands = 0 : i64, tpu.core_type = #tpu.core_type<tc>, window_params = [{transform_indices = @transform_0, window_bounds = array<i64: 1024, 32>}, {transform_indices = @transform_1, window_bounds = array<i64: 1, 1024>}, {pipeline_mode = #tpu.pipeline_mode<synchronous>, transform_indices = @transform_2, window_bounds = array<i64: 1024, 32>}, {pipeline_mode = #tpu.pipeline_mode<synchronous>, transform_indices = @transform_3, window_bounds = array<i64: 1024, 1>}, {pipeline_mode = #tpu.pipeline_mode<synchronous>, transform_indices = @transform_4, window_bounds = array<i64: 128, 32>}, {pipeline_mode = #tpu.pipeline_mode<synchronous>, transform_indices = @transform_5, window_bounds = array<i64: 128, 1>}, {transform_indices = @transform_6, window_bounds = array<i64: 1, 1, 1024>}, {transform_indices = @transform_7, window_bounds = array<i64: 1, 1, 1024>}, {transform_indices = @transform_8, window_bounds = array<i64: 1, 1, 1024>}]} {
    %get3A = arith.constant 0 : index
    %get3A_0 = arith.constant 0 : index
    %get3A_1 = vector.load %arg1[%get3A, %get3A_0] : memref<1024x32xf32, #tpu.memory_space<vmem>>, vector<1024x32xf32>
    %get3A_2 = arith.constant 0 : index
    %get3A_3 = arith.constant 0 : index
    %get3A_4 = vector.load %arg2[%get3A_2, %get3A_3] : memref<1x1024xf32, #tpu.memory_space<vmem>>, vector<1x1024xf32>
    %get3A_5 = arith.constant 0 : index
    %get3A_6 = arith.constant 0 : index
    %get3A_7 = vector.load %arg3[%get3A_5, %get3A_6] : memref<1024x32xf32, #tpu.memory_space<vmem>>, vector<1024x32xf32>
    %dot_general3A = arith.constant dense<0.000000e+00> : vector<1024x1024xf32>
    %dot_general3A_8 = tpu.matmul %get3A_7, %get3A_1, %dot_general3A {dimension_numbers = #tpu.dot_dimension_numbers<[1], [1], [0], [0], [0, 0, 1, 0], [], []>, transpose_lhs_hint = false} : vector<1024x32xf32>, vector<1024x32xf32>, vector<1024x1024xf32> -> vector<1024x1024xf32>
    %get3A_9 = arith.constant 0 : index
    %get3A_10 = arith.constant 0 : index
    %get3A_11 = vector.load %arg4[%get3A_9, %get3A_10] : memref<1024x1xf32, #tpu.memory_space<vmem>>, vector<1024x1xf32>
    %add3A = vector.broadcast %get3A_4 : vector<1x1024xf32> to vector<1024x1024xf32>
    %add3A_12 = vector.broadcast %get3A_11 : vector<1024x1xf32> to vector<1024x1024xf32>
    %add3A_13 = arith.addf %add3A, %add3A_12 : vector<1024x1024xf32>
    %mul3A = arith.constant 2.000000e+00 : f32
    %mul3A_14 = vector.broadcast %mul3A : f32 to vector<1024x1024xf32>
    %mul3A_15 = arith.mulf %mul3A_14, %dot_general3A_8 : vector<1024x1024xf32>
    %sub3A = arith.subf %add3A_13, %mul3A_15 : vector<1024x1024xf32>
    %iota3A = tpu.iota {dimensions = array<i32: 0>} : vector<1024x1024xi32>
    %ge3A = arith.constant 0 : i32
    %ge3A_16 = vector.broadcast %ge3A : i32 to vector<1024x1024xi32>
    %ge3A_17 = arith.cmpi sge, %iota3A, %ge3A_16 : vector<1024x1024xi32>
    %lt3A = arith.constant 1024 : i32
    %lt3A_18 = vector.broadcast %lt3A : i32 to vector<1024x1024xi32>
    %lt3A_19 = arith.cmpi slt, %iota3A, %lt3A_18 : vector<1024x1024xi32>
    %and3A = arith.andi %ge3A_17, %lt3A_19 : vector<1024x1024xi1>
    %jit3A = arith.constant 3.000000e+38 : f32
    %broadcast_in_dim3A = vector.broadcast %jit3A : f32 to vector<1024x1024xf32>
    %select_n3A = arith.select %and3A, %sub3A, %broadcast_in_dim3A : vector<1024x1024xi1>, vector<1024x1024xf32>
    %reduce_min3A = arith.constant dense<0x7F800000> : vector<1024xf32>
    %reduce_min3A_20 = vector.multi_reduction <minimumf>, %select_n3A, %reduce_min3A [0] : vector<1024x1024xf32> to vector<1024xf32>
    %broadcast_in_dim3A_21 = vector.shape_cast %reduce_min3A_20 : vector<1024xf32> to vector<1x1024xf32>
    %eq3A = vector.broadcast %broadcast_in_dim3A_21 : vector<1x1024xf32> to vector<1024x1024xf32>
    %eq3A_22 = arith.cmpf oeq, %sub3A, %eq3A : vector<1024x1024xf32>
    %and3A_23 = arith.andi %eq3A_22, %and3A : vector<1024x1024xi1>
    %jit3A_24 = arith.constant 1073741824 : i32
    %broadcast_in_dim3A_25 = vector.broadcast %jit3A_24 : i32 to vector<1024x1024xi32>
    %select_n3A_26 = arith.select %and3A_23, %iota3A, %broadcast_in_dim3A_25 : vector<1024x1024xi1>, vector<1024x1024xi32>
    %reduce_min3A_27 = arith.constant dense<2147483647> : vector<1024xi32>
    %reduce_min3A_28 = vector.multi_reduction <minsi>, %select_n3A_26, %reduce_min3A_27 [0] : vector<1024x1024xi32> to vector<1024xi32>
    %broadcast_in_dim3A_29 = vector.shape_cast %reduce_min3A_28 : vector<1024xi32> to vector<1x1024xi32>
    %sub3A_30 = arith.constant 0 : i32
    %sub3A_31 = vector.broadcast %sub3A_30 : i32 to vector<1x1024xi32>
    %sub3A_32 = arith.subi %broadcast_in_dim3A_29, %sub3A_31 : vector<1x1024xi32>
    %reshape3A = vector.shape_cast %sub3A_32 : vector<1x1024xi32> to vector<1x1x1024xi32>
    %swap3A = arith.constant 0 : index
    %swap3A_33 = arith.constant 0 : index
    %swap3A_34 = arith.constant 0 : index
    %swap3A_35 = vector.load %arg7[%swap3A, %swap3A_33, %swap3A_34] : memref<1x1x1024xi32, #tpu.memory_space<vmem>>, vector<1x1x1024xi32>
    tpu.vector_store %arg7[%swap3A, %swap3A_33, %swap3A_34], %reshape3A {strides = array<i32>} : memref<1x1x1024xi32, #tpu.memory_space<vmem>>, vector<1x1x1024xi32>,
    %get3A_36 = arith.constant 0 : index
    %get3A_37 = arith.constant 0 : index
    %get3A_38 = vector.load %arg5[%get3A_36, %get3A_37] : memref<128x32xf32, #tpu.memory_space<vmem>>, vector<128x32xf32>
    %dot_general3A_39 = arith.constant dense<0.000000e+00> : vector<128x1024xf32>
    %dot_general3A_40 = tpu.matmul %get3A_38, %get3A_1, %dot_general3A_39 {dimension_numbers = #tpu.dot_dimension_numbers<[1], [1], [0], [0], [0, 0, 1, 0], [], []>, transpose_lhs_hint = false} : vector<128x32xf32>, vector<1024x32xf32>, vector<128x1024xf32> -> vector<128x1024xf32>
    %get3A_41 = arith.constant 0 : index
    %get3A_42 = arith.constant 0 : index
    %get3A_43 = vector.load %arg6[%get3A_41, %get3A_42] : memref<128x1xf32, #tpu.memory_space<vmem>>, vector<128x1xf32>
    %add3A_44 = vector.broadcast %get3A_4 : vector<1x1024xf32> to vector<128x1024xf32>
    %add3A_45 = vector.broadcast %get3A_43 : vector<128x1xf32> to vector<128x1024xf32>
    %add3A_46 = arith.addf %add3A_44, %add3A_45 : vector<128x1024xf32>
    %mul3A_47 = arith.constant 2.000000e+00 : f32
    %mul3A_48 = vector.broadcast %mul3A_47 : f32 to vector<128x1024xf32>
    %mul3A_49 = arith.mulf %mul3A_48, %dot_general3A_40 : vector<128x1024xf32>
    %sub3A_50 = arith.subf %add3A_46, %mul3A_49 : vector<128x1024xf32>
    %iota3A_51 = tpu.iota {dimensions = array<i32: 0>} : vector<128x1024xi32>
    %ge3A_52 = arith.constant 0 : i32
    %ge3A_53 = vector.broadcast %ge3A_52 : i32 to vector<128x1024xi32>
    %ge3A_54 = arith.cmpi sge, %iota3A_51, %ge3A_53 : vector<128x1024xi32>
    %lt3A_55 = arith.constant 100 : i32
    %lt3A_56 = vector.broadcast %lt3A_55 : i32 to vector<128x1024xi32>
    %lt3A_57 = arith.cmpi slt, %iota3A_51, %lt3A_56 : vector<128x1024xi32>
    %and3A_58 = arith.andi %ge3A_54, %lt3A_57 : vector<128x1024xi1>
    %jit3A_59 = arith.constant 3.000000e+38 : f32
    %broadcast_in_dim3A_60 = vector.broadcast %jit3A_59 : f32 to vector<128x1024xf32>
    %select_n3A_61 = arith.select %and3A_58, %sub3A_50, %broadcast_in_dim3A_60 : vector<128x1024xi1>, vector<128x1024xf32>
    %reduce_min3A_62 = arith.constant dense<0x7F800000> : vector<1024xf32>
    %reduce_min3A_63 = vector.multi_reduction <minimumf>, %select_n3A_61, %reduce_min3A_62 [0] : vector<128x1024xf32> to vector<1024xf32>
    %broadcast_in_dim3A_64 = vector.shape_cast %reduce_min3A_63 : vector<1024xf32> to vector<1x1024xf32>
    %eq3A_65 = vector.broadcast %broadcast_in_dim3A_64 : vector<1x1024xf32> to vector<128x1024xf32>
    %eq3A_66 = arith.cmpf oeq, %sub3A_50, %eq3A_65 : vector<128x1024xf32>
    %and3A_67 = arith.andi %eq3A_66, %and3A_58 : vector<128x1024xi1>
    %jit3A_68 = arith.constant 1073741824 : i32
    %broadcast_in_dim3A_69 = vector.broadcast %jit3A_68 : i32 to vector<128x1024xi32>
    %select_n3A_70 = arith.select %and3A_67, %iota3A_51, %broadcast_in_dim3A_69 : vector<128x1024xi1>, vector<128x1024xi32>
    %reduce_min3A_71 = arith.constant dense<2147483647> : vector<1024xi32>
    %reduce_min3A_72 = vector.multi_reduction <minsi>, %select_n3A_70, %reduce_min3A_71 [0] : vector<128x1024xi32> to vector<1024xi32>
    %broadcast_in_dim3A_73 = vector.shape_cast %reduce_min3A_72 : vector<1024xi32> to vector<1x1024xi32>
    %sub3A_74 = arith.constant 0 : i32
    %sub3A_75 = vector.broadcast %sub3A_74 : i32 to vector<1x1024xi32>
    %sub3A_76 = arith.subi %broadcast_in_dim3A_73, %sub3A_75 : vector<1x1024xi32>
    %reshape3A_77 = vector.shape_cast %sub3A_76 : vector<1x1024xi32> to vector<1x1x1024xi32>
    %swap3A_78 = arith.constant 0 : index
    %swap3A_79 = arith.constant 0 : index
    %swap3A_80 = arith.constant 0 : index
    %swap3A_81 = vector.load %arg8[%swap3A_78, %swap3A_79, %swap3A_80] : memref<1x1x1024xi32, #tpu.memory_space<vmem>>, vector<1x1x1024xi32>
    tpu.vector_store %arg8[%swap3A_78, %swap3A_79, %swap3A_80], %reshape3A_77 {strides = array<i32>} : memref<1x1x1024xi32, #tpu.memory_space<vmem>>, vector<1x1x1024xi32>,
    %ge3A_82 = arith.constant 100 : i32
    %ge3A_83 = vector.broadcast %ge3A_82 : i32 to vector<128x1024xi32>
    %ge3A_84 = arith.cmpi sge, %iota3A_51, %ge3A_83 : vector<128x1024xi32>
    %lt3A_85 = arith.constant 110 : i32
    %lt3A_86 = vector.broadcast %lt3A_85 : i32 to vector<128x1024xi32>
    %lt3A_87 = arith.cmpi slt, %iota3A_51, %lt3A_86 : vector<128x1024xi32>
    %and3A_88 = arith.andi %ge3A_84, %lt3A_87 : vector<128x1024xi1>
    %jit3A_89 = arith.constant 3.000000e+38 : f32
    %broadcast_in_dim3A_90 = vector.broadcast %jit3A_89 : f32 to vector<128x1024xf32>
    %select_n3A_91 = arith.select %and3A_88, %sub3A_50, %broadcast_in_dim3A_90 : vector<128x1024xi1>, vector<128x1024xf32>
    %reduce_min3A_92 = arith.constant dense<0x7F800000> : vector<1024xf32>
    %reduce_min3A_93 = vector.multi_reduction <minimumf>, %select_n3A_91, %reduce_min3A_92 [0] : vector<128x1024xf32> to vector<1024xf32>
    %broadcast_in_dim3A_94 = vector.shape_cast %reduce_min3A_93 : vector<1024xf32> to vector<1x1024xf32>
    %eq3A_95 = vector.broadcast %broadcast_in_dim3A_94 : vector<1x1024xf32> to vector<128x1024xf32>
    %eq3A_96 = arith.cmpf oeq, %sub3A_50, %eq3A_95 : vector<128x1024xf32>
    %and3A_97 = arith.andi %eq3A_96, %and3A_88 : vector<128x1024xi1>
    %jit3A_98 = arith.constant 1073741824 : i32
    %broadcast_in_dim3A_99 = vector.broadcast %jit3A_98 : i32 to vector<128x1024xi32>
    %select_n3A_100 = arith.select %and3A_97, %iota3A_51, %broadcast_in_dim3A_99 : vector<128x1024xi1>, vector<128x1024xi32>
    %reduce_min3A_101 = arith.constant dense<2147483647> : vector<1024xi32>
    %reduce_min3A_102 = vector.multi_reduction <minsi>, %select_n3A_100, %reduce_min3A_101 [0] : vector<128x1024xi32> to vector<1024xi32>
    %broadcast_in_dim3A_103 = vector.shape_cast %reduce_min3A_102 : vector<1024xi32> to vector<1x1024xi32>
    %sub3A_104 = arith.constant 100 : i32
    %sub3A_105 = vector.broadcast %sub3A_104 : i32 to vector<1x1024xi32>
    %sub3A_106 = arith.subi %broadcast_in_dim3A_103, %sub3A_105 : vector<1x1024xi32>
    %reshape3A_107 = vector.shape_cast %sub3A_106 : vector<1x1024xi32> to vector<1x1x1024xi32>
    %swap3A_108 = arith.constant 0 : index
    %swap3A_109 = arith.constant 0 : index
    %swap3A_110 = arith.constant 0 : index
    %swap3A_111 = vector.load %arg9[%swap3A_108, %swap3A_109, %swap3A_110] : memref<1x1x1024xi32, #tpu.memory_space<vmem>>, vector<1x1x1024xi32>
    tpu.vector_store %arg9[%swap3A_108, %swap3A_109, %swap3A_110], %reshape3A_107 {strides = array<i32>} : memref<1x1x1024xi32, #tpu.memory_space<vmem>>, vector<1x1x1024xi32>,
    return
  }
  func.func @transform_0(%arg0: i32) -> (i32, i32) {
    %c0_i32 = arith.constant 0 : i32
    %c0_i32_0 = arith.constant 0 : i32
    return %arg0, %c0_i32 : i32, i32
  }
  func.func @transform_1(%arg0: i32) -> (i32, i32) {
    %c0_i32 = arith.constant 0 : i32
    %c0_i32_0 = arith.constant 0 : i32
    return %c0_i32, %arg0 : i32, i32
  }
  func.func @transform_2(%arg0: i32) -> (i32, i32) {
    %c0_i32 = arith.constant 0 : i32
    %c0_i32_0 = arith.constant 0 : i32
    %c0_i32_1 = arith.constant 0 : i32
    return %c0_i32, %c0_i32_0 : i32, i32
  }
  func.func @transform_3(%arg0: i32) -> (i32, i32) {
    %c0_i32 = arith.constant 0 : i32
    %c0_i32_0 = arith.constant 0 : i32
    %c0_i32_1 = arith.constant 0 : i32
    return %c0_i32, %c0_i32_0 : i32, i32
  }
  func.func @transform_4(%arg0: i32) -> (i32, i32) {
    %c0_i32 = arith.constant 0 : i32
    %c0_i32_0 = arith.constant 0 : i32
    %c0_i32_1 = arith.constant 0 : i32
    return %c0_i32, %c0_i32_0 : i32, i32
  }
  func.func @transform_5(%arg0: i32) -> (i32, i32) {
    %c0_i32 = arith.constant 0 : i32
    %c0_i32_0 = arith.constant 0 : i32
    %c0_i32_1 = arith.constant 0 : i32
    return %c0_i32, %c0_i32_0 : i32, i32
  }
  func.func @transform_6(%arg0: i32) -> (i32, i32, i32) {
    %c0_i32 = arith.constant 0 : i32
    %c0_i32_0 = arith.constant 0 : i32
    %c0_i32_1 = arith.constant 0 : i32
    return %arg0, %c0_i32, %c0_i32_0 : i32, i32, i32
  }
  func.func @transform_7(%arg0: i32) -> (i32, i32, i32) {
    %c0_i32 = arith.constant 0 : i32
    %c0_i32_0 = arith.constant 0 : i32
    %c0_i32_1 = arith.constant 0 : i32
    return %arg0, %c0_i32, %c0_i32_0 : i32, i32, i32
  }
  func.func @transform_8(%arg0: i32) -> (i32, i32, i32) {
    %c0_i32 = arith.constant 0 : i32
    %c0_i32_0 = arith.constant 0 : i32
    %c0_i32_1 = arith.constant 0 : i32
    return %arg0, %c0_i32, %c0_i32_0 : i32, i32, i32
  }
}

</mosaic_0001>

<sc_bundles>
// kernel: kernel.4.cloned.1.call-start
scs
__scs_entry_jumppad:
0x0: {  	(pc) =	sbr.rel $0x88, $3  }
0x1: {  	(tag) =	ssettag $0x0;
	lr =	simm.s32 $0x1  }
0x2: {  	[smem:$0x3F9D] =	sst lr;
	_ =	strace $0xD0000000  }
0x3: {  	_ = 	snop  }
0x4: {  	_ = 	snop  }
0x5: {  	_ = 	snop  }
0x6: {  	_ = 	snop  }
0x7: {  	_ = 	snop  }
__scs_overlays_trampoline_lowered:
0x8: {  	[smem:$0x3FAC] =	sst s0  }
0x9: {  	[smem:$0x3FAD] =	sst s1  }
0xa: {  	[smem:$0x3FAE] =	sst s2  }
0xb: {  	[smem:$0x3FAF] =	sst s3  }
0xc: {  	[smem:$0x3FB0] =	sst s4  }
0xd: {  	[smem:$0x3FB1] =	sst s5  }
0xe: {  	[smem:$0x3FB2] =	sst s6  }
0xf: {  	[smem:$0x3FB3] =	sst s7  }
0x10: {  	[smem:$0x3FB4] =	sst s8  }
0x11: {  	[smem:$0x3FB5] =	sst s9;
	s0 =	simm.s32 @!p0 $0x0  }
0x12: {  	s1 =	sld [smem:$0x3F9B];
	s0 =	simm.s32 @p0 $0x1  }
0x13: {  	[smem:$0x3FB6] =	sst s0;
	s0 =	simm.s32 @!p1 $0x0  }
0x14: {  	s2 =	sld [smem:$0x3F9A];
	s0 =	simm.s32 @p1 $0x1  }
0x15: {  	[smem:$0x3FB7] =	sst s0;
	s0 =	simm.s32 @!p2 $0x0  }
0x16: {  	s3 =	sld [smem:$0x3FDB];
	s0 =	simm.s32 @p2 $0x1  }
0x17: {  	s4 =	simm.s32 $0x1BF5;
	[smem:$0x3FB9] =	sst s0  }
0x18: {  	s0 =	sld [smem:$0x3F9C];
	_ =	swait.ge [sflag:s4], $0x0  }
0x19: {  	s7 =	sld [smem:$0x3F9D]  }
0x1a: {  	s8 =	sadd.s32 $0xFFFFE003, lr  }
0x1b: {  	s9 =	sadd.s32 $0xFFFFFEF7, lr;
	s5 =	simm.s32 $0xFFFFFFFF;
	p2 =	slt.u32 s8, $0xFFFFF086  }
0x1c: {  	p1 =	slt.u32 s9, $0xF7A;
	s5 =	simm.s32 @!p2 $0x0  }
0x1d: {  	s5 =	simm.s32 @p1 $0x1;
	p0 =	seq.s32 s7, s2  }
0x1e: {  	s7 =	smul.u32 @!p0 $0xF7A, s2;
	p2 =	seq.s32 @!p0 s5, $0x0  }
0x1f: {  	s9 =	smul.u32 $0xF7A, s1;
	s8 =	simm.s32 @!p0 $0x1BF5;
	p2 =	por !p2, p0  }
0x20: {  	[sflag:s8] =	ssyncset.s32 @!p0 $0xFFFFF086;
	s6 =	sadd.s32 @!p0 s3, s7;
	s7 =	simm.s32 @!p0 $0x108  }
0x21: {  	s3 =	sadd.s32 s3, s9;
	s6 =	sadd.s32 @!p0 $0x88, s6;
	s7 =	simm.s32 @p2 $0x1082  }
0x22: {  	[simem:s7], [sflag:s8] =	dma.local @!p0 [hbm:s6], $0xF7A  }
0x23: {  	s9 =	sor.u32 $0xD0000000, s2;
	s6 =	simm.s32 $0x108;
	_ =	swait.ge @!p0 [sflag:s8], $0x0  }
0x24: {  	s3 =	sadd.s32 $0x88, s3;
	s6 =	simm.s32 @!p1 $0x1082;
	[sflag:s4] =	ssyncset.s32 $0xFFFFF086  }
0x25: {  	[simem:s6], [sflag:s4] =	dma.local [hbm:s3], $0xF7A  }
0x26: {  	[smem:$0x3F9D] =	sst s1;
	(tag) =	ssettag s2;
	_ =	strace s9  }
0x27: {  	s1 =	sld [smem:$0x3FAD]  }
0x28: {  	s2 =	sld [smem:$0x3FAE]  }
0x29: {  	s4 =	sld [smem:$0x3FB0]  }
0x2a: {  	p0 =	seq.s32 s5, $0x0;
	s5 =	sld [smem:$0x3FB1]  }
0x2b: {  	s6 =	sld [smem:$0x3FB2]  }
0x2c: {  	s7 =	sld [smem:$0x3FB3]  }
0x2d: {  	s3 =	simm.s32 $0x108;
	s8 =	sld [smem:$0x3FB4]  }
0x2e: {  	s3 =	simm.s32 @!p0 $0x1082;
	s9 =	sld [smem:$0x3FB5]  }
0x2f: {  	lr =	sadd.s32 s0, s3;
	s0 =	sld [smem:$0x3FAC]  }
0x30: {  	s3 =	sld [smem:$0x3FAF]  }
0x31: {  	[smem:$0x3FB8] =	sst s10  }
0x32: {  	s10 =	sld [smem:$0x3FB6];
	_ =	sdelay $0x3  }
0x33: {  	p0 =	seq.s32 s10, $0x1;
	s10 =	sld [smem:$0x3FB8];
	_ =	sdelay $0x3  }
0x34: {  	[smem:$0x3FB8] =	sst s10  }
0x35: {  	s10 =	sld [smem:$0x3FB7];
	_ =	sdelay $0x3  }
0x36: {  	p1 =	seq.s32 s10, $0x1;
	s10 =	sld [smem:$0x3FB8];
	_ =	sdelay $0x3  }
0x37: {  	[smem:$0x3FB8] =	sst s10  }
0x38: {  	s10 =	sld [smem:$0x3FB9]  }
0x39: {  	_ = 	snop;
	(pc) =	sbr.ind lr, $3  }
0x3a: {  	_ = 	snop  }
0x3b: {  	_ = 	snop  }
0x3c: {  	p2 =	seq.s32 s10, $0x1;
	s10 =	sld [smem:$0x3FB8]  }
0x3d: {  	_ =	shalt  }
0x3e: {  	_ =	shalt  }
0x3f: {  	_ =	shalt  }
0x40: {  	_ =	shalt  }
0x41: {  	_ =	shalt  }
0x42: {  	_ =	shalt  }
0x43: {  	_ =	shalt  }
0x44: {  	_ =	shalt  }
0x45: {  	_ =	shalt  }
0x46: {  	_ =	shalt  }
0x47: {  	_ =	shalt  }
0x48: {  	_ =	shalt  }
0x49: {  	_ =	shalt  }
0x4a: {  	_ =	shalt  }
0x4b: {  	_ =	shalt  }
0x4c: {  	_ =	shalt  }
0x4d: {  	_ =	shalt  }
0x4e: {  	_ =	shalt  }
0x4f: {  	_ =	shalt  }
0x50: {  	_ =	shalt  }
0x51: {  	_ =	shalt  }
0x52: {  	_ =	shalt  }
0x53: {  	_ =	shalt  }
0x54: {  	_ =	shalt  }
0x55: {  	_ =	shalt  }
0x56: {  	_ =	shalt  }
0x57: {  	_ =	shalt  }
0x58: {  	_ =	shalt  }
0x59: {  	_ =	shalt  }
0x5a: {  	_ =	shalt  }
0x5b: {  	_ =	shalt  }
0x5c: {  	_ =	shalt  }
0x5d: {  	_ =	shalt  }
0x5e: {  	_ =	shalt  }
0x5f: {  	_ =	shalt  }
0x60: {  	_ =	shalt  }
0x61: {  	_ =	shalt  }
0x62: {  	_ =	shalt  }
0x63: {  	_ =	shalt  }
0x64: {  	_ =	shalt  }
0x65: {  	_ =	shalt  }
0x66: {  	_ =	shalt  }
0x67: {  	_ =	shalt  }
0x68: {  	_ =	shalt  }
0x69: {  	_ =	shalt  }
0x6a: {  	_ =	shalt  }
0x6b: {  	_ =	shalt  }
0x6c: {  	_ =	shalt  }
0x6d: {  	_ =	shalt  }
0x6e: {  	_ =	shalt  }
0x6f: {  	_ =	shalt  }
0x70: {  	_ =	shalt  }
0x71: {  	_ =	shalt  }
0x72: {  	_ =	shalt  }
0x73: {  	_ =	shalt  }
0x74: {  	_ =	shalt  }
0x75: {  	_ =	shalt  }
0x76: {  	_ =	shalt  }
0x77: {  	_ =	shalt  }
0x78: {  	_ =	shalt  }
0x79: {  	_ =	shalt  }
0x7a: {  	_ =	shalt  }
0x7b: {  	_ =	shalt  }
0x7c: {  	_ =	shalt  }
0x7d: {  	_ =	shalt  }
0x7e: {  	_ =	shalt  }
0x7f: {  	_ =	shalt  }
0x80: {  	_ =	shalt  }
0x81: {  	_ =	shalt  }
0x82: {  	_ =	shalt  }
0x83: {  	_ =	shalt  }
0x84: {  	_ =	shalt  }
0x85: {  	_ =	shalt  }
0x86: {  	_ =	shalt  }
0x87: {  	_ =	shalt  }
.Lfunc_end0:
.L_simem_size_0:
called_computation_lowered:
.L_overlay_start_0:
0x88: {  	s2 =	sld [smem:$0x3FD9]  }
0x89: {  	s3 =	sld [smem:$0x3FFE];
	_ =	sdelay $0x1  }
0x8a: {  	s1 =	srdreg.scid  }
0x8b: {  	s0 =	sand.u32 $0x1, s1  }
0x8c: {  	s14 =	sshll.u32 s0, $0xA;
	s2 =	sadd.s32 s3, s2  }
0x8d: {  	s2 =	sadd.s32 s2, s14  }
0x8e: {  	[smem:$0x3FC4] =	sst s2  }
0x8f: {  	_ = 	snop  }
0x90: {  	s2 =	sld [smem:$0x3FD0];
	_ =	sdelay $0x2  }
0x91: {  	s15 =	simm.s32 $0xA;
	s4 =	simm.s32 $0x10  }
0x92: {  	[smem:s4], [sflag:s15] =	dma.local [hbm:s2], $0x1  }
0x93: {  	_ =	swait.eq [sflag:s15], $0x1  }
0x94: {  	s16 =	sld [smem:$0x10];
	[sflag:s15] =	ssyncset.done $0x0  }
0x95: {  	s17 =	sld [smem:$0x11];
	[sflag:s15] =	ssyncadd.s32 $0xFFFFFFFF  }
0x96: {  	s18 =	sld [smem:$0x12];
	(tm) =	ssettm $0x1  }
0x97: {  	s5 =	sld [smem:$0x3FFB];
	_ =	sdelay $0x3  }
0x98: {  	_ =	strace s5  }
0x99: {  	s5 =	sld [smem:$0x3FFC];
	_ =	sdelay $0x3  }
0x9a: {  	_ =	strace s5  }
0x9b: {  	s5 =	sld [smem:$0x3FFD];
	_ =	sdelay $0x3  }
0x9c: {  	_ =	strace s5  }
0x9d: {  	_ =	strace $0x8FFFFFFF  }
0x9e: {  	s19 =	sld [smem:$0x3FDB];
	_ =	sdelay $0x1  }
0x9f: {  	s6 =	simm.s32 $_scs_section_size  }
0xa0: {  	s7 =	simm.s32 $_size__tile_overlayer_lowered;
	s8 =	simm.s32 $_tile_overlayer_lowered  }
0xa1: {  	s22 =	simm.s32 $0x1BFF;
	s21 =	sshll.u32 s8, $0x1;
	s5 =	sadd.s32 s6, s19  }
0xa2: {  	s9 =	simm.s32 $0x0;
	s20 =	sshll.u32 s7, $0x1;
	s7 =	sadd.s32 s21, s5  }
0xa3: {  	[timem:s9], [sflag:s22] =	dma.local [hbm:s7], s20  }
0xa4: {  	_ =	swait.ge [sflag:s22], s20  }
0xa5: {  	s6 =	ssub.s32 $0x0, s20;
	[sflag:s22] =	ssyncset.done $0x0  }
0xa6: {  	[sflag:s22] =	ssyncadd.s32 s6;
	_ =	sdelay $0x1  }
0xa7: {  	s23 =	simm.s32 $0x1B8B  }
0xa8: {  	_ =	swait.ge [sflag:s23], $0x1  }
0xa9: {  	[sflag:s23] =	ssyncset.done $0x0  }
0xaa: {  	s25 =	simm.s32 $0x1B8E;
	s24 =	sld [smem:$0x3FFE];
	[sflag:s23] =	ssyncadd.s32 $0xFFFFFFFF  }
0xab: {  	s26 =	simm.s32 $execute0_lowered;
	[smem:$0x3FD2] =	sst s25  }
0xac: {  	s7 =	sshll.u32 s26, $0x1;
	_ =	strace $0x80000046;
	[dreg:$0x1] =	wrdreg $0xFFFFFFFF  }
0xad: {  	s28 =	simm.s32 $_size_execute0_lowered;
	s5 =	sadd.s32 s5, s7;
	[dreg:$0x0] =	wrdreg $0x0  }
0xae: {  	s7 =	sshll.u32 s28, $0x1;
	[dreg:$0x2] =	wrdreg s5  }
0xaf: {  	[dreg:$0x3] =	wrdreg s7  }
0xb0: {  	[dreg:$0x4] =	wrdreg $0xC0  }
0xb1: {  	_ =	task [dreg:s9], $0x5FFFF  }
0xb2: {  	[dreg:$0x1] =	wrdreg $0xFFFFFFFF  }
0xb3: {  	[dreg:$0x0] =	wrdreg $0x60  }
0xb4: {  	[dreg:$0x2] =	wrdreg s16  }
0xb5: {  	[dreg:$0x3] =	wrdreg s24  }
0xb6: {  	[dreg:$0x4] =	wrdreg s18  }
0xb7: {  	[dreg:$0x5] =	wrdreg s17  }
0xb8: {  	[dreg:$0x6] =	wrdreg $0x9  }
0xb9: {  	_ =	task.clear_ibuf [dreg:s9], $0x7FFFF;
	_ =	strace $0x90000046  }
0xba: {  	s29 =	simm.s32 $0x9;
	_ =	strace $0x80000048  }
0xbb: {  	_ =	swait.ge [sflag:s29], $0x1  }
0xbc: {  	[sflag:s29] =	ssyncadd.s32 $0xFFFFFFFF  }
0xbd: {  	_ =	strace $0x90000048  }
0xbe: {  	_ =	sfence  }
0xbf: {  	s30 =	sld [smem:$0x0];
	_ =	sdelay $0x2  }
0xc0: {  	s31 =	sshll.u32 s1, $0xD;
	s1 =	sshrl.u32 s1, $0x2  }
0xc1: {  	s3 =	sand.u32 $0x4000, s31;
	s1 =	sadd.s32 s1, s30  }
0xc2: {  	s0 =	sor.u32 s3, s0;
	s1 =	sshll.u32 s1, $0x11  }
0xc3: {  	s0 =	sor.u32 s1, s0  }
0xc4: {  	s0 =	sadd.s32 $0x8F2B, s0  }
0xc5: {  	[sflag:s0] =	ssyncadd.remote.s32 $0x1  }
0xc6: {  	_ =	sfence.sel $0xFFFF  }
0xc7: {  	[dreg:$0x0] =	wrdreg $0xFFFFFFFF;
	(pc) =	sbr.abs _section_cstart, $3  }
0xc8: {  	[dreg:$0x1] =	wrdreg $0xFFFFFFFF  }
0xc9: {  	_ =	task.clear_ibuf [dreg:s9], $0x2FFFF;
	_ =	strace $0x9FFFFFFF  }
0xca: {  	(tm) =	ssettm $0x7FFFFFFF  }
0xcb: {  	_ =	shalt  }
tec
execute0_lowered:
.L_overlay_start_1:
0x0: {  	(tag) =	ssettag $0x1  }
0x1: {  	s9 =	rddreg [dreg:$0x0]  }
0x2: {  	s19 =	rddreg [dreg:$0x1]  }
0x3: {  	s1 =	srdreg.scid;
	s0 =	stileid.u32  }
0x4: {  	s17 =	rddreg [dreg:$0x2];
	s18 =	sand.u32 $0x1, s1;
	s30 =	sshll.u32 s0, $0x1  }
0x5: {  	s20 =	rddreg [dreg:$0x3];
	s21 =	sor.u32 s18, s30  }
0x6: {  	s2 =	simm.s32 $0x0;
	s1 =	rddreg [dreg:$0x4];
	s3 =	sshll.u32 s21, $0x7  }
0x7: {  	[smem:$0x7FF] =	sst s2;
	s7 =	sadd.s32 s3, s19  }
0x8: {  	_ =	strace $0x80000047;
	s3 =	simm.s32 $0x2;
	s4 =	sadd.s32 $0x4400, s7  }
0x9: {  	[tilespmem:s2], [sflag:$0x2] =	stream.linear.gather [hbm4b:s4+s2], $0x400, $0x38;
	[tilespmem:$0x18C00] =	vst v63  }
0xa: {  	_ =	swait.ge [sflag:s3], $0x400  }
0xb: {  	[sflag:s3] =	ssyncset.done $0x0  }
0xc: {  	s6 =	simm.s32 $0x400;
	s5 =	sadd.s32 $0x5400, s7;
	[sflag:s3] =	ssyncadd.s32 $0xFFFFFC00  }
0xd: {  	[tilespmem:s6], [sflag:$0x2] =	stream.linear.gather [hbm4b:s5+s2], $0x400, $0x38;
	[tilespmem:$0x18C00] =	vst v63  }
0xe: {  	_ =	swait.ge [sflag:s3], $0x400  }
0xf: {  	s8 =	simm.s32 $0x800;
	s10 =	smul.u32 $0x190, s21;
	[sflag:s3] =	ssyncset.done $0x0  }
0x10: {  	s11 =	smul.u32 $0xFA0, s21;
	s7 =	sadd.s32 $0x6400, s7;
	[sflag:s3] =	ssyncadd.s32 $0xFFFFFC00  }
0x11: {  	[tilespmem:s8], [sflag:$0x2] =	stream.linear.gather [hbm4b:s7+s2], $0x400, $0x38;
	[tilespmem:$0x18C00] =	vst v63  }
0x12: {  	s13 =	smul.u32 $0x28, s21;
	_ =	swait.ge [sflag:s3], $0x400  }
0x13: {  	s12 =	sadd.s32 s10, s19;
	s9 =	sadd.s32 s9, s11;
	[sflag:s3] =	ssyncset.done $0x0  }
0x14: {  	s10 =	simm.s32 $0x80;
	s11 =	simm.s32 $0xC00;
	[sflag:s3] =	ssyncadd.s32 $0xFFFFFC00  }
0x15: {  	[tilespmem:s11], [sflag:$0x1] =	stream.indirect.gather [hbm4b:s9+s10], $0x20, s2, s10, $0xb8;
	[tilespmem:$0x18C00] =	vst v63  }
0x16: {  	s14 =	sadd.s32 s13, s19;
	s13 =	simm.s32 $0x8C00;
	s12 =	sadd.s32 $0x1200, s12  }
0x17: {  	[tilespmem:s13], [sflag:$0x1] =	stream.indirect.gather [hbm4b:s12+s10], $0x20, s6, s10, $0xb8;
	[tilespmem:$0x18C00] =	vst v63  }
0x18: {  	s15 =	simm.s32 $0x10C00;
	s16 =	simm.s32 $0x1;
	s14 =	sadd.s32 $0xC00, s14  }
0x19: {  	[tilespmem:s15], [sflag:$0x1] =	stream.indirect.gather [hbm4b:s14+s10], $0x20, s8, s10, $0xb8;
	[tilespmem:$0x18C00] =	vst v63  }
0x1a: {  	_ =	swait.ge [sflag:s16], $0x1000  }
0x1b: {  	[sflag:s16] =	ssyncset.done $0x0  }
0x1c: {  	[sflag:s16] =	ssyncadd.s32 $0xFFFFF000  }
0x1d: {  	_ =	swait.ge [sflag:s16], $0x1000  }
0x1e: {  	[sflag:s16] =	ssyncset.done $0x0  }
0x1f: {  	[sflag:s16] =	ssyncadd.s32 $0xFFFFF000  }
0x20: {  	_ =	swait.ge [sflag:s16], $0x1000  }
0x21: {  	s21 =	sshll.u32 s21, $0xC;
	[sflag:s16] =	ssyncset.done $0x0  }
0x22: {  	s22 =	ssub.s32 $0x2, s18;
	s17 =	sadd.s32 s17, s21;
	[sflag:s16] =	ssyncadd.s32 $0xFFFFF000  }
0x23: {  	[hbm4b:s17+s2] =	stream.linear.scatter [tilespmem:s11], [sflag:$0x2], $0x8000, $0x38;
	[tilespmem:$0x18C00] =	vst v63  }
0x24: {  	s31 =	sshrl.u32 s22, $0x1;
	_ =	swait.ge [sflag:s3], $0x8000  }
0x25: {  	s18 =	sadd.s32 s20, s21;
	s20 =	ssub.s32 s22, s31;
	[sflag:s3] =	ssyncset.done $0x0  }
0x26: {  	s20 =	smax.u32 s20, $0x1;
	[sflag:s3] =	ssyncadd.s32 $0xFFFF8000  }
0x27: {  	[hbm4b:s18+s2] =	stream.linear.scatter [tilespmem:s13], [sflag:$0x2], $0x8000, $0x38;
	[tilespmem:$0x18C00] =	vst v63  }
0x28: {  	p0 =	sne.s32 s20, $0x1;
	_ =	swait.ge [sflag:s3], $0x8000  }
.Ltmp0:
0x29: {  	s19 =	sadd.s32 s21, s19;
	[sflag:s3] =	ssyncset.done $0x0;
	(pc) =	sbr.rel @!p0 .LBB2_2-.Ltmp0, $4  }
0x2a: {  	s19 =	sadd.s32 $0x7400, s19;
	[sflag:s3] =	ssyncadd.s32 $0xFFFF8000  }
0x2b: {  	[hbm4b:s19+s2] =	stream.linear.scatter [tilespmem:s15], [sflag:$0x2], $0x8000, $0x38;
	[tilespmem:$0x18C00] =	vst v63  }
0x2c: {  	_ =	swait.ge [sflag:s3], $0x8000  }
0x2d: {  	s20 =	sadd.s32 $0xFFFFFFFF, s20;
	[sflag:s3] =	ssyncset.done $0x0  }
.LBB2_1:
0x2e: {  	p0 =	sne.s32 s20, $0x1;
	s20 =	sadd.s32 $0xFFFFFFFF, s20;
	[sflag:s3] =	ssyncadd.s32 $0xFFFF8000  }
0x2f: {  	[tilespmem:s2], [sflag:$0x2] =	stream.linear.gather [hbm4b:s4+s2], $0x400, $0x38;
	[tilespmem:$0x18C00] =	vst v63  }
0x30: {  	_ =	swait.ge [sflag:s3], $0x400  }
0x31: {  	[sflag:s3] =	ssyncset.done $0x0  }
0x32: {  	[sflag:s3] =	ssyncadd.s32 $0xFFFFFC00  }
0x33: {  	[tilespmem:s6], [sflag:$0x2] =	stream.linear.gather [hbm4b:s5+s2], $0x400, $0x38;
	[tilespmem:$0x18C00] =	vst v63  }
0x34: {  	_ =	swait.ge [sflag:s3], $0x400  }
0x35: {  	[sflag:s3] =	ssyncset.done $0x0  }
0x36: {  	[sflag:s3] =	ssyncadd.s32 $0xFFFFFC00  }
0x37: {  	[tilespmem:s8], [sflag:$0x2] =	stream.linear.gather [hbm4b:s7+s2], $0x400, $0x38;
	[tilespmem:$0x18C00] =	vst v63  }
0x38: {  	_ =	swait.ge [sflag:s3], $0x400  }
0x39: {  	[sflag:s3] =	ssyncset.done $0x0  }
0x3a: {  	[sflag:s3] =	ssyncadd.s32 $0xFFFFFC00  }
0x3b: {  	[tilespmem:s11], [sflag:$0x1] =	stream.indirect.gather [hbm4b:s9+s10], $0x20, s2, s10, $0xb8;
	[tilespmem:$0x18C00] =	vst v63  }
0x3c: {  	_ = 	snop  }
0x3d: {  	[tilespmem:s13], [sflag:$0x1] =	stream.indirect.gather [hbm4b:s12+s10], $0x20, s6, s10, $0xb8;
	[tilespmem:$0x18C00] =	vst v63  }
0x3e: {  	_ = 	snop  }
0x3f: {  	[tilespmem:s15], [sflag:$0x1] =	stream.indirect.gather [hbm4b:s14+s10], $0x20, s8, s10, $0xb8;
	[tilespmem:$0x18C00] =	vst v63  }
0x40: {  	_ =	swait.ge [sflag:s16], $0x1000  }
0x41: {  	[sflag:s16] =	ssyncset.done $0x0  }
0x42: {  	[sflag:s16] =	ssyncadd.s32 $0xFFFFF000  }
0x43: {  	_ =	swait.ge [sflag:s16], $0x1000  }
0x44: {  	[sflag:s16] =	ssyncset.done $0x0  }
0x45: {  	[sflag:s16] =	ssyncadd.s32 $0xFFFFF000  }
0x46: {  	_ =	swait.ge [sflag:s16], $0x1000  }
0x47: {  	[sflag:s16] =	ssyncset.done $0x0  }
0x48: {  	[sflag:s16] =	ssyncadd.s32 $0xFFFFF000  }
0x49: {  	[hbm4b:s17+s2] =	stream.linear.scatter [tilespmem:s11], [sflag:$0x2], $0x8000, $0x38;
	[tilespmem:$0x18C00] =	vst v63  }
0x4a: {  	_ =	swait.ge [sflag:s3], $0x8000  }
0x4b: {  	[sflag:s3] =	ssyncset.done $0x0  }
0x4c: {  	[sflag:s3] =	ssyncadd.s32 $0xFFFF8000  }
0x4d: {  	[hbm4b:s18+s2] =	stream.linear.scatter [tilespmem:s13], [sflag:$0x2], $0x8000, $0x38;
	[tilespmem:$0x18C00] =	vst v63  }
0x4e: {  	_ =	swait.ge [sflag:s3], $0x8000  }
.Ltmp1:
0x4f: {  	[sflag:s3] =	ssyncset.done $0x0;
	(pc) =	sbr.rel @p0 .LBB2_1-.Ltmp1, $4  }
0x50: {  	[sflag:s3] =	ssyncadd.s32 $0xFFFF8000  }
0x51: {  	[hbm4b:s19+s2] =	stream.linear.scatter [tilespmem:s15], [sflag:$0x2], $0x8000, $0x38;
	[tilespmem:$0x18C00] =	vst v63  }
0x52: {  	_ =	swait.ge [sflag:s3], $0x8000  }
0x53: {  	[sflag:s3] =	ssyncset.done $0x0  }
.LBB2_2:
0x54: {  	[sflag:s3] =	ssyncadd.s32 $0xFFFF8000  }
0x55: {  	_ =	sfence.sel $0x180000  }
0x56: {  	[bflag:$0x0] =	sbarrier.arrive $0xFFFF  }
0x57: {  	p0 =	sne.s32 s0, $0x0;
	_ =	strace $0x90000047  }
0x58: {  	s0 =	sadd.s32 @!p0 $0x100000, s1;
	[bflag:$0x2] =	sbarrier.arrive $0xFFFF  }
0x59: {  	[sflag:s0] =	ssyncadd.tile.s32 @!p0 $0x1;
	_ =	shalt  }
.Lfunc_end2:
_tile_overlayer_lowered:
.L_overlay_start_2:
0x5a: {  	(tag) =	ssettag $0x2  }
0x5b: {  	s0 =	rddreg [dreg:$0x0];
	s2 =	stileid.u32  }
0x5c: {  	s1 =	rddreg [dreg:$0x1];
	p0 =	sne.s32 s2, $0x0  }
0x5d: {  	s3 =	rddreg [dreg:$0x2];
	[bflag:$0x3] =	sbarrier.arrive $0xFFFF;
	s2 =	simm.s32 @!p0 $0x1C02  }
0x5e: {  	[timem:s3], [sflag:s2] =	dma.local @!p0 [hbm:s0], s1  }
0x5f: {  	s0 =	simm.s32 @!p0 $0x2  }
0x60: {  	_ =	swait.ge @!p0 [sflag:s0], s1  }
0x61: {  	s1 =	ssub.s32 @!p0 $0x0, s1;
	[sflag:s0] =	ssyncset.done @!p0 $0x0  }
0x62: {  	[sflag:s0] =	ssyncadd.s32 @!p0 s1  }
0x63: {  	[bflag:$0x3] =	sbarrier.arrive $0xFFFF  }
0x64: {  	_ =	shalt  }

</sc_bundles>
